<compile_context>
chip_gen: v7x
topology: tpu7x:2x2x1
jax: 0.10.2.dev20260603
libtpu: 0.0.44.dev20260713+nightly
codegen_flags: <defaults>
</compile_context>

<pallas_src>
import functools

import jax
import jax.numpy as jnp
from jax import lax
from jax.experimental import pallas as pl
from jax.experimental.pallas import tpu as pltpu
from jax.experimental.pallas import tpu_sc as plsc

N_CATS = 8
EPS = 1e-07
N_ROWS = 1_000_000
CHUNK = 2000
NCHUNKS = N_ROWS // CHUNK
GROUPS = CHUNK // 16
NC, NS = 2, 16
NW = NC * NS
CHUNKS_PER_W = (NCHUNKS + NW - 1) // NW


def _sc_partial_hist(inputs_flat, targets):
    mesh = plsc.VectorSubcoreMesh(core_axis_name="c", subcore_axis_name="s")

    @functools.partial(
        pl.kernel,
        mesh=mesh,
        out_type=jax.ShapeDtypeStruct((NW, 1024), jnp.float32),
        compiler_params=pltpu.CompilerParams(needs_layout_passes=False),
        scratch_types=[
            pltpu.VMEM((CHUNK * N_CATS,), jnp.float32),
            pltpu.VMEM((CHUNK,), jnp.int32),
            pltpu.VMEM((1024,), jnp.float32),
        ],
    )
    def body(in_hbm, tgt_hbm, out_hbm, in_v, tgt_v, hist_v):
        w = lax.axis_index("s") * NC + lax.axis_index("c")

        def zero_body(k, carry):
            hist_v[pl.ds(k * 16, 16)] = jnp.zeros((16,), jnp.float32)
            return carry

        lax.fori_loop(0, 64, zero_body, None)

        lane = lax.iota(jnp.int32, 16)
        row_off = lane * N_CATS
        ones = jnp.ones((16,), jnp.float32)

        def chunk_body(i, carry):
            cid = w + i * NW

            @pl.when(cid < NCHUNKS)
            def _do():
                pltpu.sync_copy(
                    in_hbm.at[pl.ds(cid * CHUNK * N_CATS, CHUNK * N_CATS)], in_v)
                pltpu.sync_copy(tgt_hbm.at[pl.ds(cid * CHUNK, CHUNK)], tgt_v)

                def group_body(g, gcarry):
                    base = g * (16 * N_CATS)
                    m = plsc.load_gather(in_v, [base + row_off])
                    am = jnp.zeros((16,), jnp.int32)
                    for j in range(1, N_CATS):
                        vj = plsc.load_gather(in_v, [base + row_off + j])
                        gt = vj > m
                        m = jnp.where(gt, vj, m)
                        am = jnp.where(gt, jnp.int32(j), am)
                    t = tgt_v[pl.ds(g * 16, 16)]
                    addr = t * 128 + am * 16 + lane
                    plsc.addupdate_scatter(hist_v, [addr], ones)
                    return gcarry

                lax.fori_loop(0, GROUPS, group_body, None)

            return carry

        lax.fori_loop(0, CHUNKS_PER_W, chunk_body, None)
        pltpu.sync_copy(hist_v, out_hbm.at[w])

    return body(inputs_flat, targets)


def _finish(partial):
    def body(p_ref, o_ref):
        x = p_ref[...]
        col = lax.broadcasted_iota(jnp.int32, (NW, 1024), 1)
        bin_ = col // 16
        ti = (bin_ // N_CATS).astype(jnp.float32)
        pj = (bin_ % N_CATS).astype(jnp.float32)
        xn = x * (1.0 / N_ROWS)
        wsq = (ti - pj) ** 2 * (1.0 / 49.0)
        po = jnp.sum((1.0 - wsq) * xn)
        s0 = jnp.sum(xn)
        s1t = jnp.sum(ti * xn)
        s2t = jnp.sum(ti * ti * xn)
        s1p = jnp.sum(pj * xn)
        s2p = jnp.sum(pj * pj * xn)
        pe = s0 * s0 - (s2t * s0 - 2.0 * s1t * s1p + s0 * s2p) * (1.0 / 49.0)
        pe = jnp.clip(pe, 0.0, 1.0 - EPS)
        qwk = jnp.where(pe >= 1.0 - EPS, 0.0, (po - pe) / (1.0 - pe + EPS))
        qwk = jnp.clip(qwk, -1.0, 1.0)
        o_ref[...] = jnp.broadcast_to(1.0 - qwk, (1, 1))

    out = pl.pallas_call(
        body, out_shape=jax.ShapeDtypeStruct((1, 1), jnp.float32))(partial)
    return out[0, 0]


def kernel(inputs, targets):
    if inputs.ndim > 2:
        inputs = inputs.reshape(-1, inputs.shape[-1])
        targets = targets.reshape(-1)
    partial = _sc_partial_hist(inputs.reshape(-1), targets.astype(jnp.int32))
    return _finish(partial)

# --- scband reference (transcript-rebuilt; emitter-appended) ---
"""Pipeline reference for scband-qwkloss-43198781063509 (READ-ONLY COPY).

The authoritative reference and input builder live on the scoring server;
editing this copy changes nothing except your own understanding.
"""

import jax, jax.numpy as jnp
import numpy as np

N_CATS = 8
EPS = 1e-07

def _qwk_weights(n_cats):
    i = jnp.arange(n_cats, dtype=jnp.float32)
    ig, jg = jnp.meshgrid(i, i, indexing='ij')
    return 1.0 - (ig - jg) ** 2 / (n_cats - 1) ** 2

def setup_inputs(seed: int = 0) -> dict:
    key = jax.random.key(seed)
    k1, k2 = jax.random.split(key)
    inputs = jax.random.normal(k1, (1000000, N_CATS), dtype=jnp.float32)
    targets = jax.random.randint(k2, (1000000,), 0, N_CATS, dtype=jnp.int64 if jax.config.jax_enable_x64 else jnp.int32)
    return {"inputs": inputs, "targets": targets}

def reference(inputs, targets):
    n_cats = N_CATS
    if inputs.ndim > 2:
        inputs = inputs.reshape(-1, inputs.shape[-1])
        targets = targets.reshape(-1)
    probs = jax.nn.softmax(inputs, axis=-1)
    preds = jnp.argmax(probs, axis=-1)
    n = targets.shape[0]
    indices = targets * n_cats + preds
    bincount = jnp.bincount(indices, length=n_cats * n_cats)
    confusion_matrix = bincount.reshape(n_cats, n_cats).astype(jnp.float32)
    confusion_matrix = confusion_matrix / n
    marg_true = confusion_matrix.sum(axis=1)
    marg_pred = confusion_matrix.sum(axis=0)
    expected_matrix = jnp.outer(marg_true, marg_pred)
    w = _qwk_weights(n_cats)
    Po = (w * confusion_matrix).sum()
    Pe = (w * expected_matrix).sum()
    Pe = jnp.clip(Pe, 0.0, 1.0 - EPS)
    qwk = jnp.where(Pe >= 1.0 - EPS, 0.0, (Po - Pe) / (1.0 - Pe + EPS))
    qwk = jnp.clip(qwk, -1.0, 1.0)
    return 1.0 - qwk

if __name__ == "__main__":
    import jax
    _d = setup_inputs()
    print(jax.jit(kernel)(*tuple(_d.values())))

</pallas_src>

<mosaic_0001>
#map = affine_map<(d0, d1) -> (0)>
#map1 = affine_map<(d0, d1) -> (0, 0)>
module attributes {stable_mosaic.version = 14 : i64} {
  func.func @body(%arg0: i32, %arg1: i32, %arg2: memref<8000000xf32, #tpu.memory_space<hbm>>, %arg3: memref<1000000xi32, #tpu.memory_space<hbm>>, %arg4: memref<32x1024xf32, #tpu.memory_space<hbm>>, %arg5: memref<16000xf32, #tpu.memory_space<vmem>>, %arg6: memref<2000xi32, #tpu.memory_space<vmem>>, %arg7: memref<1024xf32, #tpu.memory_space<vmem>>) attributes {dimension_semantics = [#tpu.dimension_semantics<core_parallel>, #tpu.dimension_semantics<subcore_parallel>], iteration_bounds = array<i64: 2, 16>, scalar_prefetch = 0 : i64, scratch_operands = 3 : i64, tpu.core_type = #tpu.core_type<sc_vector_subcore>, window_params = [{transform_indices = #map}, {transform_indices = #map}, {transform_indices = #map1}]} {
    %mul3A = arith.constant 2 : i32
    %mul3A_0 = arith.muli %arg1, %mul3A : i32
    %add3A = arith.addi %mul3A_0, %arg0 : i32
    %scan3A = arith.constant 0 : i32
    %scan3A_1 = arith.constant 64 : i32
    %scan3A_2 = arith.addi %scan3A, %scan3A_1 : i32
    %scan3A_3 = arith.constant 1 : i32
    scf.for %scan3A_14 = %scan3A to %scan3A_2 step %scan3A_3  : i32 {
      %broadcast_in_dim3A_15 = arith.constant 0.000000e+00 : f32
      %broadcast_in_dim3A_16 = vector.broadcast %broadcast_in_dim3A_15 : f32 to vector<16xf32>
      %mul3A_17 = arith.constant 16 : i32
      %mul3A_18 = arith.muli %scan3A_14, %mul3A_17 : i32
      %swap3A = arith.index_cast %mul3A_18 : i32 to index
      %swap3A_19 = tpu.vector_load %arg7[%swap3A] {strides = array<i32>} : memref<1024xf32, #tpu.memory_space<vmem>>, vector<16xf32>,
      tpu.vector_store %arg7[%swap3A], %broadcast_in_dim3A_16 {strides = array<i32>} : memref<1024xf32, #tpu.memory_space<vmem>>, vector<16xf32>,
    }
    %scan3A_4 = arith.constant 64 : i32
    %iota3A = tpu.iota {dimensions = array<i32: 0>} : vector<16xi32>
    %mul3A_5 = arith.constant 8 : i32
    %mul3A_6 = vector.broadcast %mul3A_5 : i32 to vector<16xi32>
    %mul3A_7 = arith.muli %iota3A, %mul3A_6 : vector<16xi32>
    %broadcast_in_dim3A = arith.constant 1.000000e+00 : f32
    %broadcast_in_dim3A_8 = vector.broadcast %broadcast_in_dim3A : f32 to vector<16xf32>
    %scan3A_9 = arith.constant 0 : i32
    %scan3A_10 = arith.constant 16 : i32
    %scan3A_11 = arith.addi %scan3A_9, %scan3A_10 : i32
    %scan3A_12 = arith.constant 1 : i32
    scf.for %scan3A_14 = %scan3A_9 to %scan3A_11 step %scan3A_12  : i32 {
      %mul3A_15 = arith.constant 32 : i32
      %mul3A_16 = arith.muli %scan3A_14, %mul3A_15 : i32
      %add3A_17 = arith.addi %add3A, %mul3A_16 : i32
      %lt3A = arith.constant 500 : i32
      %lt3A_18 = arith.cmpi slt, %add3A_17, %lt3A : i32
      %convert_element_type3A = arith.extui %lt3A_18 : i1 to i32
      %cond3A = arith.constant 0 : i32
      %cond3A_19 = arith.cmpi ne, %convert_element_type3A, %cond3A : i32
      scf.if %cond3A_19 {
        %mul3A_20 = arith.constant 2000 : i32
        %mul3A_21 = arith.muli %add3A_17, %mul3A_20 : i32
        %mul3A_22 = arith.constant 8 : i32
        %mul3A_23 = arith.muli %mul3A_21, %mul3A_22 : i32
        "tpu.region"() ({
          %run_scoped3A = tpu.sem_alloc : memref<!tpu.dma_semaphore, #tpu.memory_space<semaphore_mem>>
          %dma_start3A = tpu.memref_slice %arg2[%mul3A_23] : memref<8000000xf32, #tpu.memory_space<hbm>> -> memref<16000xf32, #tpu.memory_space<hbm>>
          %dma_start3A_31 = tpu.memref_slice %arg2[%mul3A_23] : memref<8000000xf32, #tpu.memory_space<hbm>> -> memref<16000xf32, #tpu.memory_space<hbm>>
          tpu.enqueue_dma source(%dma_start3A_31 : memref<16000xf32, #tpu.memory_space<hbm>>) target(%arg5 : memref<16000xf32, #tpu.memory_space<vmem>>) target_semaphore(%run_scoped3A : memref<!tpu.dma_semaphore, #tpu.memory_space<semaphore_mem>>)
          %dma_wait3A = tpu.memref_slice %arg2[%mul3A_23] : memref<8000000xf32, #tpu.memory_space<hbm>> -> memref<16000xf32, #tpu.memory_space<hbm>>
          %dma_wait3A_32 = tpu.memref_slice %arg2[%mul3A_23] : memref<8000000xf32, #tpu.memory_space<hbm>> -> memref<16000xf32, #tpu.memory_space<hbm>>
          tpu.wait_dma2 semaphore(%run_scoped3A : memref<!tpu.dma_semaphore, #tpu.memory_space<semaphore_mem>>) src(%dma_wait3A_32 : memref<16000xf32, #tpu.memory_space<hbm>>) dst(%arg5 : memref<16000xf32, #tpu.memory_space<vmem>>)
          tpu.yield
        }) : () -> ()
        %mul3A_24 = arith.constant 2000 : i32
        %mul3A_25 = arith.muli %add3A_17, %mul3A_24 : i32
        "tpu.region"() ({
          %run_scoped3A = tpu.sem_alloc : memref<!tpu.dma_semaphore, #tpu.memory_space<semaphore_mem>>
          %dma_start3A = tpu.memref_slice %arg3[%mul3A_25] : memref<1000000xi32, #tpu.memory_space<hbm>> -> memref<2000xi32, #tpu.memory_space<hbm>>
          %dma_start3A_31 = tpu.memref_slice %arg3[%mul3A_25] : memref<1000000xi32, #tpu.memory_space<hbm>> -> memref<2000xi32, #tpu.memory_space<hbm>>
          tpu.enqueue_dma source(%dma_start3A_31 : memref<2000xi32, #tpu.memory_space<hbm>>) target(%arg6 : memref<2000xi32, #tpu.memory_space<vmem>>) target_semaphore(%run_scoped3A : memref<!tpu.dma_semaphore, #tpu.memory_space<semaphore_mem>>)
          %dma_wait3A = tpu.memref_slice %arg3[%mul3A_25] : memref<1000000xi32, #tpu.memory_space<hbm>> -> memref<2000xi32, #tpu.memory_space<hbm>>
          %dma_wait3A_32 = tpu.memref_slice %arg3[%mul3A_25] : memref<1000000xi32, #tpu.memory_space<hbm>> -> memref<2000xi32, #tpu.memory_space<hbm>>
          tpu.wait_dma2 semaphore(%run_scoped3A : memref<!tpu.dma_semaphore, #tpu.memory_space<semaphore_mem>>) src(%dma_wait3A_32 : memref<2000xi32, #tpu.memory_space<hbm>>) dst(%arg6 : memref<2000xi32, #tpu.memory_space<vmem>>)
          tpu.yield
        }) : () -> ()
        %scan3A_26 = arith.constant 0 : i32
        %scan3A_27 = arith.constant 125 : i32
        %scan3A_28 = arith.addi %scan3A_26, %scan3A_27 : i32
        %scan3A_29 = arith.constant 1 : i32
        scf.for %scan3A_31 = %scan3A_26 to %scan3A_28 step %scan3A_29  : i32 {
          %mul3A_32 = arith.constant 128 : i32
          %mul3A_33 = arith.muli %scan3A_31, %mul3A_32 : i32
          %add3A_34 = vector.broadcast %mul3A_33 : i32 to vector<16xi32>
          %add3A_35 = arith.addi %add3A_34, %mul3A_7 : vector<16xi32>
          %gather3A = tpu.vector_load_idx %arg5[%add3A_35] : memref<16000xf32, #tpu.memory_space<vmem>>[vector<16xi32>], vector<16xf32>,
          %broadcast_in_dim3A_36 = arith.constant 0 : i32
          %broadcast_in_dim3A_37 = vector.broadcast %broadcast_in_dim3A_36 : i32 to vector<16xi32>
          %add3A_38 = vector.broadcast %mul3A_33 : i32 to vector<16xi32>
          %add3A_39 = arith.addi %add3A_38, %mul3A_7 : vector<16xi32>
          %add3A_40 = arith.constant 1 : i32
          %add3A_41 = vector.broadcast %add3A_40 : i32 to vector<16xi32>
          %add3A_42 = arith.addi %add3A_39, %add3A_41 : vector<16xi32>
          %gather3A_43 = tpu.vector_load_idx %arg5[%add3A_42] : memref<16000xf32, #tpu.memory_space<vmem>>[vector<16xi32>], vector<16xf32>,
          %gt3A = arith.cmpf ogt, %gather3A_43, %gather3A : vector<16xf32>
          %select_n3A = arith.select %gt3A, %gather3A_43, %gather3A : vector<16xi1>, vector<16xf32>
          %jit3A = arith.constant 1 : i32
          %broadcast_in_dim3A_44 = vector.broadcast %jit3A : i32 to vector<16xi32>
          %select_n3A_45 = arith.select %gt3A, %broadcast_in_dim3A_44, %broadcast_in_dim3A_37 : vector<16xi1>, vector<16xi32>
          %add3A_46 = vector.broadcast %mul3A_33 : i32 to vector<16xi32>
          %add3A_47 = arith.addi %add3A_46, %mul3A_7 : vector<16xi32>
          %add3A_48 = arith.constant 2 : i32
          %add3A_49 = vector.broadcast %add3A_48 : i32 to vector<16xi32>
          %add3A_50 = arith.addi %add3A_47, %add3A_49 : vector<16xi32>
          %gather3A_51 = tpu.vector_load_idx %arg5[%add3A_50] : memref<16000xf32, #tpu.memory_space<vmem>>[vector<16xi32>], vector<16xf32>,
          %gt3A_52 = arith.cmpf ogt, %gather3A_51, %select_n3A : vector<16xf32>
          %select_n3A_53 = arith.select %gt3A_52, %gather3A_51, %select_n3A : vector<16xi1>, vector<16xf32>
          %jit3A_54 = arith.constant 2 : i32
          %broadcast_in_dim3A_55 = vector.broadcast %jit3A_54 : i32 to vector<16xi32>
          %select_n3A_56 = arith.select %gt3A_52, %broadcast_in_dim3A_55, %select_n3A_45 : vector<16xi1>, vector<16xi32>
          %add3A_57 = vector.broadcast %mul3A_33 : i32 to vector<16xi32>
          %add3A_58 = arith.addi %add3A_57, %mul3A_7 : vector<16xi32>
          %add3A_59 = arith.constant 3 : i32
          %add3A_60 = vector.broadcast %add3A_59 : i32 to vector<16xi32>
          %add3A_61 = arith.addi %add3A_58, %add3A_60 : vector<16xi32>
          %gather3A_62 = tpu.vector_load_idx %arg5[%add3A_61] : memref<16000xf32, #tpu.memory_space<vmem>>[vector<16xi32>], vector<16xf32>,
          %gt3A_63 = arith.cmpf ogt, %gather3A_62, %select_n3A_53 : vector<16xf32>
          %select_n3A_64 = arith.select %gt3A_63, %gather3A_62, %select_n3A_53 : vector<16xi1>, vector<16xf32>
          %jit3A_65 = arith.constant 3 : i32
          %broadcast_in_dim3A_66 = vector.broadcast %jit3A_65 : i32 to vector<16xi32>
          %select_n3A_67 = arith.select %gt3A_63, %broadcast_in_dim3A_66, %select_n3A_56 : vector<16xi1>, vector<16xi32>
          %add3A_68 = vector.broadcast %mul3A_33 : i32 to vector<16xi32>
          %add3A_69 = arith.addi %add3A_68, %mul3A_7 : vector<16xi32>
          %add3A_70 = arith.constant 4 : i32
          %add3A_71 = vector.broadcast %add3A_70 : i32 to vector<16xi32>
          %add3A_72 = arith.addi %add3A_69, %add3A_71 : vector<16xi32>
          %gather3A_73 = tpu.vector_load_idx %arg5[%add3A_72] : memref<16000xf32, #tpu.memory_space<vmem>>[vector<16xi32>], vector<16xf32>,
          %gt3A_74 = arith.cmpf ogt, %gather3A_73, %select_n3A_64 : vector<16xf32>
          %select_n3A_75 = arith.select %gt3A_74, %gather3A_73, %select_n3A_64 : vector<16xi1>, vector<16xf32>
          %jit3A_76 = arith.constant 4 : i32
          %broadcast_in_dim3A_77 = vector.broadcast %jit3A_76 : i32 to vector<16xi32>
          %select_n3A_78 = arith.select %gt3A_74, %broadcast_in_dim3A_77, %select_n3A_67 : vector<16xi1>, vector<16xi32>
          %add3A_79 = vector.broadcast %mul3A_33 : i32 to vector<16xi32>
          %add3A_80 = arith.addi %add3A_79, %mul3A_7 : vector<16xi32>
          %add3A_81 = arith.constant 5 : i32
          %add3A_82 = vector.broadcast %add3A_81 : i32 to vector<16xi32>
          %add3A_83 = arith.addi %add3A_80, %add3A_82 : vector<16xi32>
          %gather3A_84 = tpu.vector_load_idx %arg5[%add3A_83] : memref<16000xf32, #tpu.memory_space<vmem>>[vector<16xi32>], vector<16xf32>,
          %gt3A_85 = arith.cmpf ogt, %gather3A_84, %select_n3A_75 : vector<16xf32>
          %select_n3A_86 = arith.select %gt3A_85, %gather3A_84, %select_n3A_75 : vector<16xi1>, vector<16xf32>
          %jit3A_87 = arith.constant 5 : i32
          %broadcast_in_dim3A_88 = vector.broadcast %jit3A_87 : i32 to vector<16xi32>
          %select_n3A_89 = arith.select %gt3A_85, %broadcast_in_dim3A_88, %select_n3A_78 : vector<16xi1>, vector<16xi32>
          %add3A_90 = vector.broadcast %mul3A_33 : i32 to vector<16xi32>
          %add3A_91 = arith.addi %add3A_90, %mul3A_7 : vector<16xi32>
          %add3A_92 = arith.constant 6 : i32
          %add3A_93 = vector.broadcast %add3A_92 : i32 to vector<16xi32>
          %add3A_94 = arith.addi %add3A_91, %add3A_93 : vector<16xi32>
          %gather3A_95 = tpu.vector_load_idx %arg5[%add3A_94] : memref<16000xf32, #tpu.memory_space<vmem>>[vector<16xi32>], vector<16xf32>,
          %gt3A_96 = arith.cmpf ogt, %gather3A_95, %select_n3A_86 : vector<16xf32>
          %select_n3A_97 = arith.select %gt3A_96, %gather3A_95, %select_n3A_86 : vector<16xi1>, vector<16xf32>
          %jit3A_98 = arith.constant 6 : i32
          %broadcast_in_dim3A_99 = vector.broadcast %jit3A_98 : i32 to vector<16xi32>
          %select_n3A_100 = arith.select %gt3A_96, %broadcast_in_dim3A_99, %select_n3A_89 : vector<16xi1>, vector<16xi32>
          %add3A_101 = vector.broadcast %mul3A_33 : i32 to vector<16xi32>
          %add3A_102 = arith.addi %add3A_101, %mul3A_7 : vector<16xi32>
          %add3A_103 = arith.constant 7 : i32
          %add3A_104 = vector.broadcast %add3A_103 : i32 to vector<16xi32>
          %add3A_105 = arith.addi %add3A_102, %add3A_104 : vector<16xi32>
          %gather3A_106 = tpu.vector_load_idx %arg5[%add3A_105] : memref<16000xf32, #tpu.memory_space<vmem>>[vector<16xi32>], vector<16xf32>,
          %gt3A_107 = arith.cmpf ogt, %gather3A_106, %select_n3A_97 : vector<16xf32>
          %select_n3A_108 = arith.select %gt3A_107, %gather3A_106, %select_n3A_97 : vector<16xi1>, vector<16xf32>
          %jit3A_109 = arith.constant 7 : i32
          %broadcast_in_dim3A_110 = vector.broadcast %jit3A_109 : i32 to vector<16xi32>
          %select_n3A_111 = arith.select %gt3A_107, %broadcast_in_dim3A_110, %select_n3A_100 : vector<16xi1>, vector<16xi32>
          %mul3A_112 = arith.constant 16 : i32
          %mul3A_113 = arith.muli %scan3A_31, %mul3A_112 : i32
          %get3A = arith.index_cast %mul3A_113 : i32 to index
          %get3A_114 = tpu.vector_load %arg6[%get3A] {strides = array<i32>} : memref<2000xi32, #tpu.memory_space<vmem>>, vector<16xi32>,
          %mul3A_115 = arith.constant 128 : i32
          %mul3A_116 = vector.broadcast %mul3A_115 : i32 to vector<16xi32>
          %mul3A_117 = arith.muli %get3A_114, %mul3A_116 : vector<16xi32>
          %mul3A_118 = arith.constant 16 : i32
          %mul3A_119 = vector.broadcast %mul3A_118 : i32 to vector<16xi32>
          %mul3A_120 = arith.muli %select_n3A_111, %mul3A_119 : vector<16xi32>
          %add3A_121 = arith.addi %mul3A_117, %mul3A_120 : vector<16xi32>
          %add3A_122 = arith.addi %add3A_121, %iota3A : vector<16xi32>
          tpu.vector_store_idx %arg7[%add3A_122], %broadcast_in_dim3A_8 {add = true} : memref<1024xf32, #tpu.memory_space<vmem>>[vector<16xi32>], vector<16xf32>,
        }
        %scan3A_30 = arith.constant 125 : i32
      } else {
      }
    }
    %scan3A_13 = arith.constant 16 : i32
    "tpu.region"() ({
      %run_scoped3A = tpu.sem_alloc : memref<!tpu.dma_semaphore, #tpu.memory_space<semaphore_mem>>
      %dma_start3A = arith.constant 0 : i32
      %dma_start3A_14 = tpu.memref_slice %arg4[%add3A, %dma_start3A] : memref<32x1024xf32, #tpu.memory_space<hbm>> -> memref<1x1024xf32, #tpu.memory_space<hbm>>
      %dma_start3A_15 = tpu.memref_squeeze %dma_start3A_14 : memref<1x1024xf32, #tpu.memory_space<hbm>> -> memref<1024xf32, #tpu.memory_space<hbm>>
      %dma_start3A_16 = arith.constant 0 : i32
      %dma_start3A_17 = tpu.memref_slice %arg4[%add3A, %dma_start3A_16] : memref<32x1024xf32, #tpu.memory_space<hbm>> -> memref<1x1024xf32, #tpu.memory_space<hbm>>
      %dma_start3A_18 = tpu.memref_squeeze %dma_start3A_17 : memref<1x1024xf32, #tpu.memory_space<hbm>> -> memref<1024xf32, #tpu.memory_space<hbm>>
      tpu.enqueue_dma source(%arg7 : memref<1024xf32, #tpu.memory_space<vmem>>) target(%dma_start3A_18 : memref<1024xf32, #tpu.memory_space<hbm>>) target_semaphore(%run_scoped3A : memref<!tpu.dma_semaphore, #tpu.memory_space<semaphore_mem>>)
      %dma_wait3A = arith.constant 0 : i32
      %dma_wait3A_19 = tpu.memref_slice %arg4[%add3A, %dma_wait3A] : memref<32x1024xf32, #tpu.memory_space<hbm>> -> memref<1x1024xf32, #tpu.memory_space<hbm>>
      %dma_wait3A_20 = tpu.memref_squeeze %dma_wait3A_19 : memref<1x1024xf32, #tpu.memory_space<hbm>> -> memref<1024xf32, #tpu.memory_space<hbm>>
      %dma_wait3A_21 = arith.constant 0 : i32
      %dma_wait3A_22 = tpu.memref_slice %arg4[%add3A, %dma_wait3A_21] : memref<32x1024xf32, #tpu.memory_space<hbm>> -> memref<1x1024xf32, #tpu.memory_space<hbm>>
      %dma_wait3A_23 = tpu.memref_squeeze %dma_wait3A_22 : memref<1x1024xf32, #tpu.memory_space<hbm>> -> memref<1024xf32, #tpu.memory_space<hbm>>
      tpu.wait_dma2 semaphore(%run_scoped3A : memref<!tpu.dma_semaphore, #tpu.memory_space<semaphore_mem>>) src(%arg7 : memref<1024xf32, #tpu.memory_space<vmem>>) dst(%dma_wait3A_23 : memref<1024xf32, #tpu.memory_space<hbm>>)
      tpu.yield
    }) : () -> ()
    return
  }
}

module attributes {stable_mosaic.version = 14 : i64} {
  func.func @body(%arg0: memref<32x1024xf32, #tpu.memory_space<vmem>>, %arg1: memref<1x1xf32, #tpu.memory_space<vmem>>) attributes {dimension_semantics = [], scalar_prefetch = 0 : i64, scratch_operands = 0 : i64, tpu.core_type = #tpu.core_type<tc>} {
    %get3A = arith.constant 0 : index
    %get3A_0 = arith.constant 0 : index
    %get3A_1 = vector.load %arg0[%get3A, %get3A_0] : memref<32x1024xf32, #tpu.memory_space<vmem>>, vector<32x1024xf32>
    %iota3A = tpu.iota {dimensions = array<i32: 1>} : vector<32x1024xi32>
    %jit3A = arith.constant 16 : i32
    %div3A = vector.broadcast %jit3A : i32 to vector<32x1024xi32>
    %div3A_2 = arith.divsi %iota3A, %div3A : vector<32x1024xi32>
    %sign3A = arith.constant 0 : i32
    %sign3A_3 = vector.broadcast %sign3A : i32 to vector<32x1024xi32>
    %sign3A_4 = arith.cmpi sgt, %iota3A, %sign3A_3 : vector<32x1024xi32>
    %sign3A_5 = arith.extui %sign3A_4 : vector<32x1024xi1> to vector<32x1024xi32>
    %sign3A_6 = arith.constant 0 : i32
    %sign3A_7 = vector.broadcast %sign3A_6 : i32 to vector<32x1024xi32>
    %sign3A_8 = arith.cmpi slt, %iota3A, %sign3A_7 : vector<32x1024xi32>
    %sign3A_9 = arith.extui %sign3A_8 : vector<32x1024xi1> to vector<32x1024xi32>
    %sign3A_10 = arith.subi %sign3A_5, %sign3A_9 : vector<32x1024xi32>
    %sign3A_11 = arith.constant 0 : i32
    %sign3A_12 = arith.cmpi sgt, %jit3A, %sign3A_11 : i32
    %sign3A_13 = arith.extui %sign3A_12 : i1 to i32
    %sign3A_14 = arith.constant 0 : i32
    %sign3A_15 = arith.cmpi slt, %jit3A, %sign3A_14 : i32
    %sign3A_16 = arith.extui %sign3A_15 : i1 to i32
    %sign3A_17 = arith.subi %sign3A_13, %sign3A_16 : i32
    %ne3A = vector.broadcast %sign3A_17 : i32 to vector<32x1024xi32>
    %ne3A_18 = arith.cmpi ne, %sign3A_10, %ne3A : vector<32x1024xi32>
    %rem3A = vector.broadcast %jit3A : i32 to vector<32x1024xi32>
    %rem3A_19 = arith.remsi %iota3A, %rem3A : vector<32x1024xi32>
    %ne3A_20 = arith.constant 0 : i32
    %ne3A_21 = vector.broadcast %ne3A_20 : i32 to vector<32x1024xi32>
    %ne3A_22 = arith.cmpi ne, %rem3A_19, %ne3A_21 : vector<32x1024xi32>
    %and3A = arith.andi %ne3A_18, %ne3A_22 : vector<32x1024xi1>
    %sub3A = arith.constant 1 : i32
    %sub3A_23 = vector.broadcast %sub3A : i32 to vector<32x1024xi32>
    %sub3A_24 = arith.subi %div3A_2, %sub3A_23 : vector<32x1024xi32>
    %select_n3A = arith.select %and3A, %sub3A_24, %div3A_2 : vector<32x1024xi1>, vector<32x1024xi32>
    %jit3A_25 = arith.constant 8 : i32
    %div3A_26 = vector.broadcast %jit3A_25 : i32 to vector<32x1024xi32>
    %div3A_27 = arith.divsi %select_n3A, %div3A_26 : vector<32x1024xi32>
    %sign3A_28 = arith.constant 0 : i32
    %sign3A_29 = vector.broadcast %sign3A_28 : i32 to vector<32x1024xi32>
    %sign3A_30 = arith.cmpi sgt, %select_n3A, %sign3A_29 : vector<32x1024xi32>
    %sign3A_31 = arith.extui %sign3A_30 : vector<32x1024xi1> to vector<32x1024xi32>
    %sign3A_32 = arith.constant 0 : i32
    %sign3A_33 = vector.broadcast %sign3A_32 : i32 to vector<32x1024xi32>
    %sign3A_34 = arith.cmpi slt, %select_n3A, %sign3A_33 : vector<32x1024xi32>
    %sign3A_35 = arith.extui %sign3A_34 : vector<32x1024xi1> to vector<32x1024xi32>
    %sign3A_36 = arith.subi %sign3A_31, %sign3A_35 : vector<32x1024xi32>
    %sign3A_37 = arith.constant 0 : i32
    %sign3A_38 = arith.cmpi sgt, %jit3A_25, %sign3A_37 : i32
    %sign3A_39 = arith.extui %sign3A_38 : i1 to i32
    %sign3A_40 = arith.constant 0 : i32
    %sign3A_41 = arith.cmpi slt, %jit3A_25, %sign3A_40 : i32
    %sign3A_42 = arith.extui %sign3A_41 : i1 to i32
    %sign3A_43 = arith.subi %sign3A_39, %sign3A_42 : i32
    %ne3A_44 = vector.broadcast %sign3A_43 : i32 to vector<32x1024xi32>
    %ne3A_45 = arith.cmpi ne, %sign3A_36, %ne3A_44 : vector<32x1024xi32>
    %rem3A_46 = vector.broadcast %jit3A_25 : i32 to vector<32x1024xi32>
    %rem3A_47 = arith.remsi %select_n3A, %rem3A_46 : vector<32x1024xi32>
    %ne3A_48 = arith.constant 0 : i32
    %ne3A_49 = vector.broadcast %ne3A_48 : i32 to vector<32x1024xi32>
    %ne3A_50 = arith.cmpi ne, %rem3A_47, %ne3A_49 : vector<32x1024xi32>
    %and3A_51 = arith.andi %ne3A_45, %ne3A_50 : vector<32x1024xi1>
    %sub3A_52 = arith.constant 1 : i32
    %sub3A_53 = vector.broadcast %sub3A_52 : i32 to vector<32x1024xi32>
    %sub3A_54 = arith.subi %div3A_27, %sub3A_53 : vector<32x1024xi32>
    %select_n3A_55 = arith.select %and3A_51, %sub3A_54, %div3A_27 : vector<32x1024xi1>, vector<32x1024xi32>
    %convert_element_type3A = arith.sitofp %select_n3A_55 : vector<32x1024xi32> to vector<32x1024xf32>
    %jit3A_56 = arith.constant 8 : i32
    %eq3A = arith.constant 0 : i32
    %eq3A_57 = arith.cmpi eq, %jit3A_56, %eq3A : i32
    %jit3A_58 = arith.constant 1 : i32
    %select_n3A_59 = arith.select %eq3A_57, %jit3A_58, %jit3A_56 : i32
    %rem3A_60 = vector.broadcast %select_n3A_59 : i32 to vector<32x1024xi32>
    %rem3A_61 = arith.remsi %select_n3A, %rem3A_60 : vector<32x1024xi32>
    %ne3A_62 = arith.constant 0 : i32
    %ne3A_63 = vector.broadcast %ne3A_62 : i32 to vector<32x1024xi32>
    %ne3A_64 = arith.cmpi ne, %rem3A_61, %ne3A_63 : vector<32x1024xi32>
    %lt3A = arith.constant 0 : i32
    %lt3A_65 = vector.broadcast %lt3A : i32 to vector<32x1024xi32>
    %lt3A_66 = arith.cmpi slt, %rem3A_61, %lt3A_65 : vector<32x1024xi32>
    %lt3A_67 = arith.constant 0 : i32
    %lt3A_68 = arith.cmpi slt, %select_n3A_59, %lt3A_67 : i32
    %ne3A_69 = vector.broadcast %lt3A_68 : i1 to vector<32x1024xi1>
    %ne3A_70 = vector.broadcast %ne3A_69 : vector<32x1024xi1> to vector<32x1024xi1>
    %ne3A_71 = arith.xori %lt3A_66, %ne3A_70 : vector<32x1024xi1>
    %and3A_72 = arith.andi %ne3A_71, %ne3A_64 : vector<32x1024xi1>
    %add3A = vector.broadcast %select_n3A_59 : i32 to vector<32x1024xi32>
    %add3A_73 = arith.addi %rem3A_61, %add3A : vector<32x1024xi32>
    %select_n3A_74 = arith.select %and3A_72, %add3A_73, %rem3A_61 : vector<32x1024xi1>, vector<32x1024xi32>
    %convert_element_type3A_75 = arith.sitofp %select_n3A_74 : vector<32x1024xi32> to vector<32x1024xf32>
    %mul3A = arith.constant 9.99999997E-7 : f32
    %mul3A_76 = vector.broadcast %mul3A : f32 to vector<32x1024xf32>
    %mul3A_77 = arith.mulf %get3A_1, %mul3A_76 : vector<32x1024xf32>
    %sub3A_78 = arith.subf %convert_element_type3A, %convert_element_type3A_75 : vector<32x1024xf32>
    %integer_pow3A = arith.mulf %sub3A_78, %sub3A_78 : vector<32x1024xf32>
    %mul3A_79 = arith.constant 0.0204081628 : f32
    %mul3A_80 = vector.broadcast %mul3A_79 : f32 to vector<32x1024xf32>
    %mul3A_81 = arith.mulf %integer_pow3A, %mul3A_80 : vector<32x1024xf32>
    %sub3A_82 = arith.constant 1.000000e+00 : f32
    %sub3A_83 = vector.broadcast %sub3A_82 : f32 to vector<32x1024xf32>
    %sub3A_84 = arith.subf %sub3A_83, %mul3A_81 : vector<32x1024xf32>
    %mul3A_85 = arith.mulf %sub3A_84, %mul3A_77 : vector<32x1024xf32>
    %reduce_sum3A = vector.shape_cast %mul3A_85 : vector<32x1024xf32> to vector<1x32x1024xf32>
    %reduce_sum3A_86 = arith.constant dense<0.000000e+00> : vector<1xf32>
    %reduce_sum3A_87 = vector.multi_reduction <add>, %reduce_sum3A, %reduce_sum3A_86 [1, 2] : vector<1x32x1024xf32> to vector<1xf32>
    %reduce_sum3A_88 = vector.shape_cast %reduce_sum3A_87 : vector<1xf32> to vector<1x1x1xf32>
    %reduce_sum3A_89 = vector.extract %reduce_sum3A_88[0, 0, 0] : f32 from vector<1x1x1xf32>
    %reduce_sum3A_90 = vector.shape_cast %mul3A_77 : vector<32x1024xf32> to vector<1x32x1024xf32>
    %reduce_sum3A_91 = arith.constant dense<0.000000e+00> : vector<1xf32>
    %reduce_sum3A_92 = vector.multi_reduction <add>, %reduce_sum3A_90, %reduce_sum3A_91 [1, 2] : vector<1x32x1024xf32> to vector<1xf32>
    %reduce_sum3A_93 = vector.shape_cast %reduce_sum3A_92 : vector<1xf32> to vector<1x1x1xf32>
    %reduce_sum3A_94 = vector.extract %reduce_sum3A_93[0, 0, 0] : f32 from vector<1x1x1xf32>
    %mul3A_95 = arith.mulf %convert_element_type3A, %mul3A_77 : vector<32x1024xf32>
    %reduce_sum3A_96 = vector.shape_cast %mul3A_95 : vector<32x1024xf32> to vector<1x32x1024xf32>
    %reduce_sum3A_97 = arith.constant dense<0.000000e+00> : vector<1xf32>
    %reduce_sum3A_98 = vector.multi_reduction <add>, %reduce_sum3A_96, %reduce_sum3A_97 [1, 2] : vector<1x32x1024xf32> to vector<1xf32>
    %reduce_sum3A_99 = vector.shape_cast %reduce_sum3A_98 : vector<1xf32> to vector<1x1x1xf32>
    %reduce_sum3A_100 = vector.extract %reduce_sum3A_99[0, 0, 0] : f32 from vector<1x1x1xf32>
    %mul3A_101 = arith.mulf %convert_element_type3A, %convert_element_type3A : vector<32x1024xf32>
    %mul3A_102 = arith.mulf %mul3A_101, %mul3A_77 : vector<32x1024xf32>
    %reduce_sum3A_103 = vector.shape_cast %mul3A_102 : vector<32x1024xf32> to vector<1x32x1024xf32>
    %reduce_sum3A_104 = arith.constant dense<0.000000e+00> : vector<1xf32>
    %reduce_sum3A_105 = vector.multi_reduction <add>, %reduce_sum3A_103, %reduce_sum3A_104 [1, 2] : vector<1x32x1024xf32> to vector<1xf32>
    %reduce_sum3A_106 = vector.shape_cast %reduce_sum3A_105 : vector<1xf32> to vector<1x1x1xf32>
    %reduce_sum3A_107 = vector.extract %reduce_sum3A_106[0, 0, 0] : f32 from vector<1x1x1xf32>
    %mul3A_108 = arith.mulf %convert_element_type3A_75, %mul3A_77 : vector<32x1024xf32>
    %reduce_sum3A_109 = vector.shape_cast %mul3A_108 : vector<32x1024xf32> to vector<1x32x1024xf32>
    %reduce_sum3A_110 = arith.constant dense<0.000000e+00> : vector<1xf32>
    %reduce_sum3A_111 = vector.multi_reduction <add>, %reduce_sum3A_109, %reduce_sum3A_110 [1, 2] : vector<1x32x1024xf32> to vector<1xf32>
    %reduce_sum3A_112 = vector.shape_cast %reduce_sum3A_111 : vector<1xf32> to vector<1x1x1xf32>
    %reduce_sum3A_113 = vector.extract %reduce_sum3A_112[0, 0, 0] : f32 from vector<1x1x1xf32>
    %mul3A_114 = arith.mulf %convert_element_type3A_75, %convert_element_type3A_75 : vector<32x1024xf32>
    %mul3A_115 = arith.mulf %mul3A_114, %mul3A_77 : vector<32x1024xf32>
    %reduce_sum3A_116 = vector.shape_cast %mul3A_115 : vector<32x1024xf32> to vector<1x32x1024xf32>
    %reduce_sum3A_117 = arith.constant dense<0.000000e+00> : vector<1xf32>
    %reduce_sum3A_118 = vector.multi_reduction <add>, %reduce_sum3A_116, %reduce_sum3A_117 [1, 2] : vector<1x32x1024xf32> to vector<1xf32>
    %reduce_sum3A_119 = vector.shape_cast %reduce_sum3A_118 : vector<1xf32> to vector<1x1x1xf32>
    %reduce_sum3A_120 = vector.extract %reduce_sum3A_119[0, 0, 0] : f32 from vector<1x1x1xf32>
    %mul3A_121 = arith.mulf %reduce_sum3A_94, %reduce_sum3A_94 : f32
    %mul3A_122 = arith.mulf %reduce_sum3A_107, %reduce_sum3A_94 : f32
    %mul3A_123 = arith.constant 2.000000e+00 : f32
    %mul3A_124 = arith.mulf %mul3A_123, %reduce_sum3A_100 : f32
    %mul3A_125 = arith.mulf %mul3A_124, %reduce_sum3A_113 : f32
    %sub3A_126 = arith.subf %mul3A_122, %mul3A_125 : f32
    %mul3A_127 = arith.mulf %reduce_sum3A_94, %reduce_sum3A_120 : f32
    %add3A_128 = arith.addf %sub3A_126, %mul3A_127 : f32
    %mul3A_129 = arith.constant 0.0204081628 : f32
    %mul3A_130 = arith.mulf %add3A_128, %mul3A_129 : f32
    %sub3A_131 = arith.subf %mul3A_121, %mul3A_130 : f32
    %jit3A_132 = arith.constant 0.000000e+00 : f32
    %jit3A_133 = arith.constant 0.99999988 : f32
    %max3A = arith.maximumf %jit3A_132, %sub3A_131 : f32
    %min3A = arith.minimumf %jit3A_133, %max3A : f32
    %ge3A = arith.constant 0.99999988 : f32
    %ge3A_134 = arith.cmpf oge, %min3A, %ge3A : f32
    %sub3A_135 = arith.subf %reduce_sum3A_89, %min3A : f32
    %sub3A_136 = arith.constant 1.000000e+00 : f32
    %sub3A_137 = arith.subf %sub3A_136, %min3A : f32
    %add3A_138 = arith.constant 1.000000e-07 : f32
    %add3A_139 = arith.addf %sub3A_137, %add3A_138 : f32
    %div3A_140 = arith.divf %sub3A_135, %add3A_139 : f32
    %jit3A_141 = arith.constant 0.000000e+00 : f32
    %select_n3A_142 = arith.select %ge3A_134, %jit3A_141, %div3A_140 : f32
    %jit3A_143 = arith.constant -1.000000e+00 : f32
    %jit3A_144 = arith.constant 1.000000e+00 : f32
    %max3A_145 = arith.maximumf %jit3A_143, %select_n3A_142 : f32
    %min3A_146 = arith.minimumf %jit3A_144, %max3A_145 : f32
    %sub3A_147 = arith.constant 1.000000e+00 : f32
    %sub3A_148 = arith.subf %sub3A_147, %min3A_146 : f32
    %broadcast_in_dim3A = vector.broadcast %sub3A_148 : f32 to vector<1x1xf32>
    %swap3A = arith.constant 0 : index
    %swap3A_149 = arith.constant 0 : index
    %swap3A_150 = vector.load %arg1[%swap3A, %swap3A_149] : memref<1x1xf32, #tpu.memory_space<vmem>>, vector<1x1xf32>
    tpu.vector_store %arg1[%swap3A, %swap3A_149], %broadcast_in_dim3A {strides = array<i32>} : memref<1x1xf32, #tpu.memory_space<vmem>>, vector<1x1xf32>,
    return
  }
}

</mosaic_0001>

<sc_bundles>
// kernel: kernel.4.cloned.1.call-start
scs
__scs_entry_jumppad:
0x0: {  	(pc) =	sbr.rel $0x88, $3  }
0x1: {  	(tag) =	ssettag $0x0;
	lr =	simm.s32 $0x1  }
0x2: {  	[smem:$0x3F9F] =	sst lr;
	_ =	strace $0xD0000000  }
0x3: {  	_ = 	snop  }
0x4: {  	_ = 	snop  }
0x5: {  	_ = 	snop  }
0x6: {  	_ = 	snop  }
0x7: {  	_ = 	snop  }
__scs_overlays_trampoline_lowered:
0x8: {  	[smem:$0x3FAE] =	sst s0  }
0x9: {  	[smem:$0x3FAF] =	sst s1  }
0xa: {  	[smem:$0x3FB0] =	sst s2  }
0xb: {  	[smem:$0x3FB1] =	sst s3  }
0xc: {  	[smem:$0x3FB2] =	sst s4  }
0xd: {  	[smem:$0x3FB3] =	sst s5  }
0xe: {  	[smem:$0x3FB4] =	sst s6  }
0xf: {  	[smem:$0x3FB5] =	sst s7  }
0x10: {  	[smem:$0x3FB6] =	sst s8  }
0x11: {  	[smem:$0x3FB7] =	sst s9;
	s0 =	simm.s32 @!p0 $0x0  }
0x12: {  	s1 =	sld [smem:$0x3F9D];
	s0 =	simm.s32 @p0 $0x1  }
0x13: {  	[smem:$0x3FB8] =	sst s0;
	s0 =	simm.s32 @!p1 $0x0  }
0x14: {  	s2 =	sld [smem:$0x3F9C];
	s0 =	simm.s32 @p1 $0x1  }
0x15: {  	[smem:$0x3FB9] =	sst s0;
	s0 =	simm.s32 @!p2 $0x0  }
0x16: {  	s3 =	sld [smem:$0x3FDB];
	s0 =	simm.s32 @p2 $0x1  }
0x17: {  	s4 =	simm.s32 $0x1BF5;
	[smem:$0x3FBB] =	sst s0  }
0x18: {  	s0 =	sld [smem:$0x3F9E];
	_ =	swait.ge [sflag:s4], $0x0  }
0x19: {  	s7 =	sld [smem:$0x3F9F]  }
0x1a: {  	s8 =	sadd.s32 $0xFFFFE003, lr  }
0x1b: {  	s9 =	sadd.s32 $0xFFFFFEF7, lr;
	s5 =	simm.s32 $0xFFFFFFFF;
	p2 =	slt.u32 s8, $0xFFFFF086  }
0x1c: {  	p1 =	slt.u32 s9, $0xF7A;
	s5 =	simm.s32 @!p2 $0x0  }
0x1d: {  	s5 =	simm.s32 @p1 $0x1;
	p0 =	seq.s32 s7, s2  }
0x1e: {  	s7 =	smul.u32 @!p0 $0xF7A, s2;
	p2 =	seq.s32 @!p0 s5, $0x0  }
0x1f: {  	s9 =	smul.u32 $0xF7A, s1;
	s8 =	simm.s32 @!p0 $0x1BF5;
	p2 =	por !p2, p0  }
0x20: {  	[sflag:s8] =	ssyncset.s32 @!p0 $0xFFFFF086;
	s6 =	sadd.s32 @!p0 s3, s7;
	s7 =	simm.s32 @!p0 $0x108  }
0x21: {  	s3 =	sadd.s32 s3, s9;
	s6 =	sadd.s32 @!p0 $0x88, s6;
	s7 =	simm.s32 @p2 $0x1082  }
0x22: {  	[simem:s7], [sflag:s8] =	dma.local @!p0 [hbm:s6], $0xF7A  }
0x23: {  	s9 =	sor.u32 $0xD0000000, s2;
	s6 =	simm.s32 $0x108;
	_ =	swait.ge @!p0 [sflag:s8], $0x0  }
0x24: {  	s3 =	sadd.s32 $0x88, s3;
	s6 =	simm.s32 @!p1 $0x1082;
	[sflag:s4] =	ssyncset.s32 $0xFFFFF086  }
0x25: {  	[simem:s6], [sflag:s4] =	dma.local [hbm:s3], $0xF7A  }
0x26: {  	[smem:$0x3F9F] =	sst s1;
	(tag) =	ssettag s2;
	_ =	strace s9  }
0x27: {  	s1 =	sld [smem:$0x3FAF]  }
0x28: {  	s2 =	sld [smem:$0x3FB0]  }
0x29: {  	s4 =	sld [smem:$0x3FB2]  }
0x2a: {  	p0 =	seq.s32 s5, $0x0;
	s5 =	sld [smem:$0x3FB3]  }
0x2b: {  	s6 =	sld [smem:$0x3FB4]  }
0x2c: {  	s7 =	sld [smem:$0x3FB5]  }
0x2d: {  	s3 =	simm.s32 $0x108;
	s8 =	sld [smem:$0x3FB6]  }
0x2e: {  	s3 =	simm.s32 @!p0 $0x1082;
	s9 =	sld [smem:$0x3FB7]  }
0x2f: {  	lr =	sadd.s32 s0, s3;
	s0 =	sld [smem:$0x3FAE]  }
0x30: {  	s3 =	sld [smem:$0x3FB1]  }
0x31: {  	[smem:$0x3FBA] =	sst s10  }
0x32: {  	s10 =	sld [smem:$0x3FB8];
	_ =	sdelay $0x3  }
0x33: {  	p0 =	seq.s32 s10, $0x1;
	s10 =	sld [smem:$0x3FBA];
	_ =	sdelay $0x3  }
0x34: {  	[smem:$0x3FBA] =	sst s10  }
0x35: {  	s10 =	sld [smem:$0x3FB9];
	_ =	sdelay $0x3  }
0x36: {  	p1 =	seq.s32 s10, $0x1;
	s10 =	sld [smem:$0x3FBA];
	_ =	sdelay $0x3  }
0x37: {  	[smem:$0x3FBA] =	sst s10  }
0x38: {  	s10 =	sld [smem:$0x3FBB]  }
0x39: {  	_ = 	snop;
	(pc) =	sbr.ind lr, $3  }
0x3a: {  	_ = 	snop  }
0x3b: {  	_ = 	snop  }
0x3c: {  	p2 =	seq.s32 s10, $0x1;
	s10 =	sld [smem:$0x3FBA]  }
0x3d: {  	_ =	shalt  }
0x3e: {  	_ =	shalt  }
0x3f: {  	_ =	shalt  }
0x40: {  	_ =	shalt  }
0x41: {  	_ =	shalt  }
0x42: {  	_ =	shalt  }
0x43: {  	_ =	shalt  }
0x44: {  	_ =	shalt  }
0x45: {  	_ =	shalt  }
0x46: {  	_ =	shalt  }
0x47: {  	_ =	shalt  }
0x48: {  	_ =	shalt  }
0x49: {  	_ =	shalt  }
0x4a: {  	_ =	shalt  }
0x4b: {  	_ =	shalt  }
0x4c: {  	_ =	shalt  }
0x4d: {  	_ =	shalt  }
0x4e: {  	_ =	shalt  }
0x4f: {  	_ =	shalt  }
0x50: {  	_ =	shalt  }
0x51: {  	_ =	shalt  }
0x52: {  	_ =	shalt  }
0x53: {  	_ =	shalt  }
0x54: {  	_ =	shalt  }
0x55: {  	_ =	shalt  }
0x56: {  	_ =	shalt  }
0x57: {  	_ =	shalt  }
0x58: {  	_ =	shalt  }
0x59: {  	_ =	shalt  }
0x5a: {  	_ =	shalt  }
0x5b: {  	_ =	shalt  }
0x5c: {  	_ =	shalt  }
0x5d: {  	_ =	shalt  }
0x5e: {  	_ =	shalt  }
0x5f: {  	_ =	shalt  }
0x60: {  	_ =	shalt  }
0x61: {  	_ =	shalt  }
0x62: {  	_ =	shalt  }
0x63: {  	_ =	shalt  }
0x64: {  	_ =	shalt  }
0x65: {  	_ =	shalt  }
0x66: {  	_ =	shalt  }
0x67: {  	_ =	shalt  }
0x68: {  	_ =	shalt  }
0x69: {  	_ =	shalt  }
0x6a: {  	_ =	shalt  }
0x6b: {  	_ =	shalt  }
0x6c: {  	_ =	shalt  }
0x6d: {  	_ =	shalt  }
0x6e: {  	_ =	shalt  }
0x6f: {  	_ =	shalt  }
0x70: {  	_ =	shalt  }
0x71: {  	_ =	shalt  }
0x72: {  	_ =	shalt  }
0x73: {  	_ =	shalt  }
0x74: {  	_ =	shalt  }
0x75: {  	_ =	shalt  }
0x76: {  	_ =	shalt  }
0x77: {  	_ =	shalt  }
0x78: {  	_ =	shalt  }
0x79: {  	_ =	shalt  }
0x7a: {  	_ =	shalt  }
0x7b: {  	_ =	shalt  }
0x7c: {  	_ =	shalt  }
0x7d: {  	_ =	shalt  }
0x7e: {  	_ =	shalt  }
0x7f: {  	_ =	shalt  }
0x80: {  	_ =	shalt  }
0x81: {  	_ =	shalt  }
0x82: {  	_ =	shalt  }
0x83: {  	_ =	shalt  }
0x84: {  	_ =	shalt  }
0x85: {  	_ =	shalt  }
0x86: {  	_ =	shalt  }
0x87: {  	_ =	shalt  }
.Lfunc_end0:
.L_simem_size_0:
called_computation_lowered:
.L_overlay_start_0:
0x88: {  	s2 =	sld [smem:$0x3FD9]  }
0x89: {  	s3 =	sld [smem:$0x3FFE];
	_ =	sdelay $0x1  }
0x8a: {  	s1 =	srdreg.scid  }
0x8b: {  	s0 =	sand.u32 $0x1, s1  }
0x8c: {  	s17 =	sshll.u32 s0, $0xA;
	s2 =	sadd.s32 s3, s2  }
0x8d: {  	s2 =	sadd.s32 s2, s17  }
0x8e: {  	[smem:$0x3FC6] =	sst s2  }
0x8f: {  	_ = 	snop  }
0x90: {  	s2 =	sld [smem:$0x3FC8];
	(tm) =	ssettm $0x1  }
0x91: {  	s18 =	sld [smem:$0x3FFB];
	_ =	sdelay $0x3  }
0x92: {  	_ =	strace s18  }
0x93: {  	s3 =	sld [smem:$0x3FFC];
	_ =	sdelay $0x3  }
0x94: {  	_ =	strace s3  }
0x95: {  	s3 =	sld [smem:$0x3FFD];
	_ =	sdelay $0x3  }
0x96: {  	_ =	strace s3  }
0x97: {  	_ =	strace $0x8FFFFFFF  }
0x98: {  	s19 =	sld [smem:$0x3FDB];
	_ =	sdelay $0x1  }
0x99: {  	s4 =	simm.s32 $_scs_section_size  }
0x9a: {  	s5 =	simm.s32 $_size__tile_overlayer_lowered;
	s6 =	simm.s32 $_tile_overlayer_lowered  }
0x9b: {  	s22 =	simm.s32 $0x1BFF;
	s21 =	sshll.u32 s6, $0x1;
	s3 =	sadd.s32 s4, s19  }
0x9c: {  	s7 =	simm.s32 $0x0;
	s20 =	sshll.u32 s5, $0x1;
	s5 =	sadd.s32 s21, s3  }
0x9d: {  	[timem:s7], [sflag:s22] =	dma.local [hbm:s5], s20  }
0x9e: {  	_ =	swait.ge [sflag:s22], s20  }
0x9f: {  	s4 =	ssub.s32 $0x0, s20;
	[sflag:s22] =	ssyncset.done $0x0  }
0xa0: {  	[sflag:s22] =	ssyncadd.s32 s4;
	_ =	sdelay $0x1  }
0xa1: {  	s23 =	simm.s32 $0x1B8B  }
0xa2: {  	_ =	swait.ge [sflag:s23], $0x1  }
0xa3: {  	[sflag:s23] =	ssyncset.done $0x0  }
0xa4: {  	s25 =	simm.s32 $0x1B8E;
	s24 =	sld [smem:$0x3FFE];
	[sflag:s23] =	ssyncadd.s32 $0xFFFFFFFF  }
0xa5: {  	s26 =	simm.s32 $execute0_lowered;
	[smem:$0x3FD2] =	sst s25  }
0xa6: {  	s5 =	sshll.u32 s26, $0x1;
	_ =	strace $0x80000046;
	[dreg:$0x1] =	wrdreg $0xFFFFFFFF  }
0xa7: {  	s28 =	simm.s32 $_size_execute0_lowered;
	s3 =	sadd.s32 s3, s5;
	[dreg:$0x0] =	wrdreg $0x0  }
0xa8: {  	s5 =	sshll.u32 s28, $0x1;
	[dreg:$0x2] =	wrdreg s3  }
0xa9: {  	[dreg:$0x3] =	wrdreg s5  }
0xaa: {  	[dreg:$0x4] =	wrdreg $0xC0  }
0xab: {  	_ =	task [dreg:s7], $0x5FFFF  }
0xac: {  	[dreg:$0x1] =	wrdreg $0xFFFFFFFF  }
0xad: {  	[dreg:$0x0] =	wrdreg $0x60  }
0xae: {  	[dreg:$0x2] =	wrdreg s24  }
0xaf: {  	[dreg:$0x3] =	wrdreg s2  }
0xb0: {  	[dreg:$0x4] =	wrdreg $0x9  }
0xb1: {  	_ =	task.clear_ibuf [dreg:s7], $0x5FFFF;
	_ =	strace $0x90000046  }
0xb2: {  	s29 =	simm.s32 $0x9;
	_ =	strace $0x80000048  }
0xb3: {  	_ =	swait.ge [sflag:s29], $0x1  }
0xb4: {  	[sflag:s29] =	ssyncadd.s32 $0xFFFFFFFF  }
0xb5: {  	_ =	strace $0x90000048  }
0xb6: {  	_ =	sfence  }
0xb7: {  	s30 =	sld [smem:$0x0];
	_ =	sdelay $0x2  }
0xb8: {  	s31 =	sshll.u32 s1, $0xD;
	s1 =	sshrl.u32 s1, $0x2  }
0xb9: {  	s3 =	sand.u32 $0x4000, s31;
	s1 =	sadd.s32 s1, s30  }
0xba: {  	s0 =	sor.u32 s3, s0;
	s1 =	sshll.u32 s1, $0x11  }
0xbb: {  	s0 =	sor.u32 s1, s0  }
0xbc: {  	s0 =	sadd.s32 $0x8F2B, s0  }
0xbd: {  	[sflag:s0] =	ssyncadd.remote.s32 $0x1  }
0xbe: {  	_ =	sfence.sel $0xFFFF  }
0xbf: {  	[dreg:$0x0] =	wrdreg $0xFFFFFFFF;
	(pc) =	sbr.abs _section_cstart, $3  }
0xc0: {  	[dreg:$0x1] =	wrdreg $0xFFFFFFFF  }
0xc1: {  	_ =	task.clear_ibuf [dreg:s7], $0x2FFFF;
	_ =	strace $0x9FFFFFFF  }
0xc2: {  	(tm) =	ssettm $0x7FFFFFFF  }
0xc3: {  	_ =	shalt  }
tec
execute0_lowered:
.L_overlay_start_1:
0x0: {  	(tag) =	ssettag $0x1  }
0x1: {  	s5 =	rddreg [dreg:$0x0]  }
0x2: {  	s2 =	rddreg [dreg:$0x1];
	s1 =	stileid.u32  }
0x3: {  	s3 =	srdreg.scid;
	s0 =	rddreg [dreg:$0x2]  }
0x4: {  	s10 =	simm.s32 $0x80;
	s11 =	simm.s32 $0x400;
	s12 =	simm.s32 $0x0  }
0x5: {  	s6 =	sand.u32 $0x1, s3;
	s4 =	sshll.u32 s1, $0x1;
	s3 =	simm.s32 $0x0  }
0x6: {  	v0 =	vlaneseq.u32;
	s7 =	sshll.u32 s1, $0x8;
	s4 =	sor.u32 s6, s4;
	[smem:$0x7FF] =	sst s3  }
.Ltmp0:
0x7: {  	v1 =	vmul.u32 $0x8, v0;
	s7 =	sand.u32 $0xC00, s7;
	s6 =	ssub.s32 $0x2, s6;
	(pc) =	sbr.rel .LBB2_1-.Ltmp0, $4  }
0x8: {  	v2 =	vimm.f32 $0.0e+00;
	s8 =	sshll.u32 s4, $0x4;
	s7 =	sadd.s32 s7, s5;
	_ =	strace $0x80000047  }
0x9: {  	v10 =	vimm.s32 $0x0;
	v11 =	vimm.f32 $1.000000000e+00;
	s9 =	sshrl.u32 s6, $0x1;
	s5 =	sadd.s32 $0xF42A00, s5;
	v3 =	vor.u32 $0x1, v1;
	s8 =	sand.u32 $0x70, s8  }
0xa: {  	v4 =	vor.u32 $0x2, v1;
	v5 =	vor.u32 $0x3, v1;
	v6 =	vor.u32 $0x4, v1;
	s31 =	ssub.s32 s6, s9;
	s9 =	simm.s32 $0x4680;
	s7 =	sadd.s32 s8, s7  }
0xb: {  	v7 =	vor.u32 $0x5, v1;
	v8 =	vor.u32 $0x6, v1;
	v9 =	vor.u32 $0x7, v1;
	s8 =	simm.s32 $0x1;
	s6 =	sadd.s32 $0x600, s7;
	s7 =	smax.u32 s31, $0x1  }
.LBB2_9:
0xc: {  	s12 =	sadd.s32 $0x1, s12  }
0xd: {  	p0 =	sne.s32 s12, s7  }
.Ltmp1:
0xe: {  	_ = 	snop;
	(pc) =	sbr.rel @!p0 .LBB2_10-.Ltmp1, $4  }
0xf: {  	[hbm4b:s6+s10] =	stream.strided.scatter [tilespmem:s9], [sflag:$0x1], $0x400, s11, s10, $0x38;
	[tilespmem:$0x4A80] =	vst v63  }
0x10: {  	_ =	swait.ge [sflag:s8], $0x400  }
0x11: {  	[sflag:s8] =	ssyncset.done $0x0  }
0x12: {  	[sflag:s8] =	ssyncadd.s32 $0xFFFFFC00  }
.LBB2_1:
0x13: {  	s13 =	simm.s32 $0x0  }
.LBB2_2:
0x14: {  	p0 =	sne.s32 s13, $0xFC0  }
.Ltmp2:
0x15: {  	_ = 	snop;
	(pc) =	sbr.rel @p0 .LBB2_2-.Ltmp2, $3  }
0x16: {  	_ =	sdelay $0x1  }
0x17: {  	s14 =	sshra.s32 s13, $0x2  }
0x18: {  	s13 =	sadd.s32 $0x40, s13;
	[tilespmem:s14+$0x4680] =	vst v2  }
.Ltmp3:
0x19: {  	(pc) =	sbr.rel .LBB2_4-.Ltmp3, $2  }
0x1a: {  	_ =	sdelay $0x2  }
0x1b: {  	s13 =	simm.s32 $0x0  }
.LBB2_8:
0x1c: {  	s13 =	sadd.s32 $0x1, s13  }
0x1d: {  	p0 =	sne.s32 s13, $0x10  }
.Ltmp4:
0x1e: {  	_ = 	snop;
	(pc) =	sbr.rel @!p0 .LBB2_9-.Ltmp4, $1  }
0x1f: {  	_ =	sdelay $0x3  }
.LBB2_4:
0x20: {  	s14 =	sshll.u32 s13, $0x5  }
0x21: {  	s14 =	sor.u32 s4, s14  }
0x22: {  	p0 =	sgt.u32 s14, $0x1F3  }
.Ltmp5:
0x23: {  	_ = 	snop;
	(pc) =	sbr.rel @p0 .LBB2_8-.Ltmp5, $1  }
0x24: {  	_ =	sdelay $0x3  }
0x25: {  	s15 =	smul.u32 $0x7D0, s14;
	_ =	sdelay $0x1  }
0x26: {  	s16 =	simm.s32 $0x0;
	s15 =	sadd.s32 s5, s15  }
0x27: {  	[tilespmem:s16], [sflag:$0x1] =	stream.linear.gather [hbm4b:s15+s16], $0x3E80, $0x38;
	[tilespmem:$0x4A80] =	vst v63  }
0x28: {  	s30 =	smul.u32 $0xFA, s14;
	_ =	swait.ge [sflag:s8], $0x3E80  }
0x29: {  	[sflag:s8] =	ssyncset.done $0x0  }
0x2a: {  	s14 =	simm.s32 $0x3E80;
	v12 =	vor.u32 s16, v3;
	s31 =	sadd.s32 s2, s30;
	[sflag:s8] =	ssyncadd.s32 $0xFFFFC180  }
0x2b: {  	v13 =	vor.u32 s16, v1;
	[tilespmem:s14], [sflag:$0x1] =	stream.linear.gather [hbm4b:s31+s16], $0x7D0, $0x38;
	[tilespmem:$0x4A80] =	vst v63  }
0x2c: {  	_ =	swait.ge [sflag:s8], $0x7D0  }
0x2d: {  	v14 =	vor.u32 s16, v4;
	[sflag:s8] =	ssyncset.done $0x0  }
0x2e: {  	[sflag:s8] =	ssyncadd.s32 $0xFFFFF830  }
0x2f: {  	v15 =	vor.u32 s16, v5;
	v12 =	vld.idx.msk [tilespmem:v12+s3+$0x0], $0xffff  }
0x30: {  	v13 =	vld.idx.msk [tilespmem:v13+s3+$0x0], $0xffff  }
0x31: {  	v16 =	vor.u32 s16, v6  }
0x32: {  	v14 =	vld.idx.msk [tilespmem:v14+s3+$0x0], $0xffff  }
0x33: {  	v17 =	vor.u32 s16, v7  }
0x34: {  	v15 =	vld.idx.msk [tilespmem:v15+s3+$0x0], $0xffff  }
0x35: {  	v18 =	vor.u32 s16, v8;
	vm0 =	vgt.f32 v12, v13  }
0x36: {  	v16 =	vld.idx.msk [tilespmem:v16+s3+$0x0], $0xffff;
	v12 =	vsel vm0, v12, v13  }
0x37: {  	v13 =	vor.u32 s16, v9;
	vm1 =	vgt.f32 v14, v12  }
0x38: {  	v17 =	vld.idx.msk [tilespmem:v17+s3+$0x0], $0xffff;
	v12 =	vsel vm1, v14, v12  }
0x39: {  	vm2 =	vgt.f32 v15, v12  }
0x3a: {  	v14 =	vld.idx.msk [tilespmem:v18+s3+$0x0], $0xffff;
	v12 =	vsel vm2, v15, v12  }
0x3b: {  	vm3 =	vgt.f32 v16, v12  }
0x3c: {  	v15 =	vsel vm0, $0x10, v10;
	v13 =	vld.idx.msk [tilespmem:v13+s3+$0x0], $0xffff;
	v12 =	vsel vm3, v16, v12  }
0x3d: {  	v63 =	vld [tilespmem:s14+$0x0];
	v15 =	vsel vm1, $0x20, v15;
	vm13 =	vgt.f32 v17, v12  }
0x3e: {  	v15 =	vsel vm2, $0x30, v15;
	v12 =	vsel vm13, v17, v12  }
0x3f: {  	v15 =	vsel vm3, $0x40, v15;
	vm14 =	vgt.f32 v14, v12  }
0x40: {  	v12 =	vsel vm14, v14, v12;
	v14 =	vsel vm13, $0x50, v15  }
0x41: {  	vm15 =	vgt.f32 v13, v12;
	v12 =	vsel vm14, $0x60, v14  }
0x42: {  	v13 =	vshll.u32 v63, $0x7;
	v12 =	vsel vm15, $0x70, v12  }
0x43: {  	v12 =	vadd.s32 v13, v12  }
0x44: {  	s15 =	simm.s32 $0x80;
	v13 =	vadd.s32 v0, v12  }
0x45: {  	v14 =	vor.u32 s15, v3  }
0x46: {  	s16 =	simm.s32 $0x100;
	v12 =	vor.u32 s15, v1  }
.LBB2_6:
0x47: {  	p0 =	sne.s32 s16, $0x3E00  }
0x48: {  	v15 =	vor.u32 s15, v4  }
0x49: {  	[tilespmem:v13+s9+$0x0] =	vst.idx.add.f32.msk $0xffff, v11  }
0x4a: {  	v13 =	vld.idx.msk [tilespmem:v14+s3+$0x0], $0xffff;
	v14 =	vor.u32 s15, v5  }
0x4b: {  	v12 =	vld.idx.msk [tilespmem:v12+s3+$0x0], $0xffff  }
0x4c: {  	v16 =	vor.u32 s15, v6  }
0x4d: {  	v15 =	vld.idx.msk [tilespmem:v15+s3+$0x0], $0xffff  }
0x4e: {  	v17 =	vor.u32 s15, v7  }
0x4f: {  	v14 =	vld.idx.msk [tilespmem:v14+s3+$0x0], $0xffff  }
0x50: {  	v18 =	vor.u32 s15, v8  }
0x51: {  	vm0 =	vgt.f32 v13, v12;
	v16 =	vld.idx.msk [tilespmem:v16+s3+$0x0], $0xffff  }
0x52: {  	v12 =	vsel vm0, v13, v12;
	v13 =	vor.u32 s15, v9;
	s15 =	smov.u32 s16  }
0x53: {  	vm1 =	vgt.f32 v15, v12;
	v17 =	vld.idx.msk [tilespmem:v17+s3+$0x0], $0xffff  }
0x54: {  	v12 =	vsel vm1, v15, v12  }
0x55: {  	vm2 =	vgt.f32 v14, v12;
	v15 =	vld.idx.msk [tilespmem:v18+s3+$0x0], $0xffff  }
0x56: {  	v12 =	vsel vm2, v14, v12  }
0x57: {  	vm3 =	vgt.f32 v16, v12;
	v13 =	vld.idx.msk [tilespmem:v13+s3+$0x0], $0xffff  }
0x58: {  	s14 =	sadd.s32 $0x10, s14;
	v14 =	vsel vm0, $0x10, v10;
	v12 =	vsel vm3, v16, v12  }
0x59: {  	v14 =	vsel vm1, $0x20, v14;
	vm0 =	vgt.f32 v17, v12;
	v16 =	vld [tilespmem:s14+$0x0]  }
0x5a: {  	v14 =	vsel vm2, $0x30, v14;
	v12 =	vsel vm0, v17, v12  }
0x5b: {  	v14 =	vsel vm3, $0x40, v14;
	vm1 =	vgt.f32 v15, v12  }
0x5c: {  	v14 =	vsel vm0, $0x50, v14;
	v12 =	vsel vm1, v15, v12  }
0x5d: {  	vm0 =	vgt.f32 v13, v12;
	v12 =	vsel vm1, $0x60, v14  }
.Ltmp6:
0x5e: {  	v12 =	vsel vm0, $0x70, v12;
	v13 =	vshll.u32 v16, $0x7;
	(pc) =	sbr.rel @p0 .LBB2_6-.Ltmp6, $4  }
0x5f: {  	v12 =	vadd.s32 v13, v12  }
0x60: {  	v13 =	vadd.s32 v0, v12  }
0x61: {  	v14 =	vor.u32 s16, v3  }
0x62: {  	s16 =	sadd.s32 $0x80, s16;
	v12 =	vor.u32 s15, v1  }
0x63: {  	_ =	sdelay $0x2  }
0x64: {  	v15 =	vor.u32 s15, v4  }
0x65: {  	[tilespmem:v13+s9+$0x0] =	vst.idx.add.f32.msk $0xffff, v11  }
0x66: {  	v57 =	vor.u32 s15, v5;
	v13 =	vld.idx.msk [tilespmem:v14+s3+$0x0], $0xffff  }
0x67: {  	v12 =	vld.idx.msk [tilespmem:v12+s3+$0x0], $0xffff  }
0x68: {  	v16 =	vor.u32 s15, v6  }
0x69: {  	v15 =	vld.idx.msk [tilespmem:v15+s3+$0x0], $0xffff  }
0x6a: {  	v17 =	vor.u32 s15, v7  }
0x6b: {  	v14 =	vld.idx.msk [tilespmem:v57+s3+$0x0], $0xffff  }
0x6c: {  	v18 =	vor.u32 s15, v8;
	vm0 =	vgt.f32 v13, v12  }
0x6d: {  	v16 =	vld.idx.msk [tilespmem:v16+s3+$0x0], $0xffff;
	v12 =	vsel vm0, v13, v12  }
0x6e: {  	v58 =	vor.u32 s15, v9;
	vm1 =	vgt.f32 v15, v12  }
0x6f: {  	v17 =	vld.idx.msk [tilespmem:v17+s3+$0x0], $0xffff;
	v12 =	vsel vm1, v15, v12  }
0x70: {  	vm2 =	vgt.f32 v14, v12  }
0x71: {  	v59 =	vld.idx.msk [tilespmem:v18+s3+$0x0], $0xffff;
	v12 =	vsel vm2, v14, v12  }
0x72: {  	vm3 =	vgt.f32 v16, v12  }
0x73: {  	s14 =	sadd.s32 $0x10, s14;
	v13 =	vld.idx.msk [tilespmem:v58+s3+$0x0], $0xffff;
	v60 =	vsel vm0, $0x10, v10;
	v12 =	vsel vm3, v16, v12  }
0x74: {  	v61 =	vld [tilespmem:s14+$0x0];
	v14 =	vsel vm1, $0x20, v60;
	vm13 =	vgt.f32 v17, v12  }
0x75: {  	v14 =	vsel vm2, $0x30, v14;
	v12 =	vsel vm13, v17, v12  }
0x76: {  	v14 =	vsel vm3, $0x40, v14;
	vm14 =	vgt.f32 v59, v12  }
0x77: {  	v14 =	vsel vm13, $0x50, v14;
	v12 =	vsel vm14, v59, v12  }
0x78: {  	v62 =	vsel vm14, $0x60, v14;
	vm15 =	vgt.f32 v13, v12  }
0x79: {  	v63 =	vshll.u32 v61, $0x7;
	v12 =	vsel vm15, $0x70, v62  }
0x7a: {  	v12 =	vadd.s32 v63, v12  }
0x7b: {  	v12 =	vadd.s32 v0, v12  }
.Ltmp7:
0x7c: {  	_ = 	snop;
	(pc) =	sbr.rel .LBB2_8-.Ltmp7, $2  }
0x7d: {  	_ =	sdelay $0x2  }
0x7e: {  	[tilespmem:v12+s9+$0x0] =	vst.idx.add.f32.msk $0xffff, v11  }
.LBB2_10:
0x7f: {  	_ =	sfence.sel $0x180000  }
0x80: {  	[bflag:$0x0] =	sbarrier.arrive $0xFFFF  }
0x81: {  	p0 =	sne.s32 s1, $0x0;
	_ =	strace $0x90000047  }
0x82: {  	s0 =	sadd.s32 @!p0 $0x100000, s0;
	[bflag:$0x2] =	sbarrier.arrive $0xFFFF  }
0x83: {  	[sflag:s0] =	ssyncadd.tile.s32 @!p0 $0x1;
	_ =	shalt  }
.Lfunc_end2:
_tile_overlayer_lowered:
.L_overlay_start_2:
0x84: {  	(tag) =	ssettag $0x2  }
0x85: {  	s0 =	rddreg [dreg:$0x0];
	s2 =	stileid.u32  }
0x86: {  	s1 =	rddreg [dreg:$0x1];
	p0 =	sne.s32 s2, $0x0  }
0x87: {  	s3 =	rddreg [dreg:$0x2];
	[bflag:$0x3] =	sbarrier.arrive $0xFFFF;
	s2 =	simm.s32 @!p0 $0x1C01  }
0x88: {  	[timem:s3], [sflag:s2] =	dma.local @!p0 [hbm:s0], s1  }
0x89: {  	s0 =	simm.s32 @!p0 $0x1  }
0x8a: {  	_ =	swait.ge @!p0 [sflag:s0], s1  }
0x8b: {  	s1 =	ssub.s32 @!p0 $0x0, s1;
	[sflag:s0] =	ssyncset.done @!p0 $0x0  }
0x8c: {  	[sflag:s0] =	ssyncadd.s32 @!p0 s1  }
0x8d: {  	[bflag:$0x3] =	sbarrier.arrive $0xFFFF  }
0x8e: {  	_ =	shalt  }

</sc_bundles>
